<compile_context>
chip_gen: v7x
topology: tpu7x:2x2x1
jax: 0.10.2.dev20260603
libtpu: 0.0.44.dev20260713+nightly
codegen_flags: <defaults>
</compile_context>

<pallas_src>
import functools
import jax
import jax.numpy as jnp
from jax import lax
from jax.experimental import pallas as pl
from jax.experimental.pallas import tpu as pltpu
from jax.experimental.pallas import tpu_sc as plsc

N_A = 128
B = 4096
HIST_LEN = 200
NW = 32
ROWS = B // NW
LANES = 16
NGRP = 13


NBG = ROWS // LANES
GRP_W = LANES * N_A


def _sc_hist(xt_hbm, out_hbm, x_v, *rest):
    hists = rest[:-1]
    sem = rest[-1]
    wid = lax.axis_index("s") * 2 + lax.axis_index("c")
    base = wid * ROWS
    cpy = pltpu.async_copy(xt_hbm.at[:, pl.ds(base, ROWS)], x_v, sem)

    lane = lax.iota(jnp.int32, LANES)
    ones = jnp.ones((LANES,), jnp.float32)
    zeros = jnp.zeros((LANES,), jnp.float32)
    lanebase = lane * N_A

    @plsc.parallel_loop(0, GRP_W // LANES, unroll=4)
    def zero_body(i):
        for h in hists:
            h[pl.ds(i * LANES, LANES)] = zeros

    cpy.wait()

    @plsc.parallel_loop(1, HIST_LEN, unroll=4)
    def l_body(l):
        for bg, h in enumerate(hists):
            bins = x_v[l, pl.ds(bg * LANES, LANES)]
            plsc.addupdate_scatter(h, [bins + lanebase], ones)

    for bg, h in enumerate(hists):
        pltpu.sync_copy(h, out_hbm.at[pl.ds(base * N_A + bg * GRP_W, GRP_W)])


@jax.jit
def _hist_sc(xt):
    mesh = plsc.VectorSubcoreMesh(core_axis_name="c", subcore_axis_name="s")
    f = functools.partial(
        pl.kernel,
        mesh=mesh,
        out_type=jax.ShapeDtypeStruct((B * N_A,), jnp.float32),
        scratch_types=[pltpu.VMEM((HIST_LEN, ROWS), jnp.int32)]
        + [pltpu.VMEM((GRP_W,), jnp.float32) for _ in range(NBG)]
        + [pltpu.SemaphoreType.DMA],
        compiler_params=pltpu.CompilerParams(needs_layout_passes=False),
    )(_sc_hist)
    return f(xt).reshape(B, N_A)


def _tc_body(h_ref, wt_ref, b_ref, o_ref):
    q = jnp.dot(h_ref[...], wt_ref[...], preferred_element_type=jnp.float32)
    o_ref[...] = q + b_ref[...]


def _matmul_tc(hist, Wt, b2):
    R = 2048
    return pl.pallas_call(
        _tc_body,
        grid=(B // R,),
        in_specs=[
            pl.BlockSpec((R, N_A), lambda i: (i, 0)),
            pl.BlockSpec((N_A, N_A), lambda i: (0, 0)),
            pl.BlockSpec((1, N_A), lambda i: (0, 0)),
        ],
        out_specs=pl.BlockSpec((R, N_A), lambda i: (i, 0)),
        out_shape=jax.ShapeDtypeStruct((B, N_A), jnp.float32),
    )(hist, Wt, b2)


def kernel(x, W, b):
    hist = _hist_sc(x.T)
    return _matmul_tc(hist, W.T, b.reshape(1, N_A))

# --- scband reference (transcript-rebuilt; emitter-appended) ---
"""Pipeline reference for scband-learning-heuristic-94489280840 (READ-ONLY COPY).

The authoritative reference and input builder live on the scoring server;
editing this copy changes nothing except your own understanding.
"""

import jax, jax.numpy as jnp
import numpy as np

N_ACTIONS = 128
BATCH = 4096
HIST = 200

def setup_inputs(seed: int = 0) -> dict:
    key = jax.random.key(seed)
    k1, k2, k3 = jax.random.split(key, 3)
    x = jax.random.randint(k1, (BATCH, HIST), 0, N_ACTIONS)
    # nn.Linear(n_actions, n_actions): weight [out, in], bias [out]
    W = jax.random.normal(k2, (N_ACTIONS, N_ACTIONS), dtype=jnp.float32) * 0.05
    b = jax.random.normal(k3, (N_ACTIONS,), dtype=jnp.float32) * 0.05
    return {"x": x, "W": W, "b": b}

def reference(x, W, b):
    B, L = x.shape
    A = W.shape[0]
    # one_hot = zeros(B, L, A).scatter_(2, x.unsqueeze(2), 1)  -> scatter-overwrite
    one_hot = jnp.zeros((B, L, A), dtype=jnp.float32)
    bi = jnp.arange(B)[:, None]
    li = jnp.arange(L)[None, :]
    one_hot = one_hot.at[bi, li, x].set(1.0)
    other = one_hot[:, 1:].sum(axis=1)
    this = one_hot[:, 0]  # computed in original forward but unused downstream
    q = other @ W.T + b
    return q

if __name__ == "__main__":
    import jax
    _d = setup_inputs()
    print(jax.jit(kernel)(*tuple(_d.values())))

</pallas_src>

<mosaic_0001>
#map = affine_map<(d0, d1) -> (0, 0)>
#map1 = affine_map<(d0, d1) -> (0)>
module attributes {stable_mosaic.version = 14 : i64} {
  func.func @_sc_hist(%arg0: i32, %arg1: i32, %arg2: memref<200x4096xi32, #tpu.memory_space<hbm>>, %arg3: memref<524288xf32, #tpu.memory_space<hbm>>, %arg4: memref<200x128xi32, #tpu.memory_space<vmem>>, %arg5: memref<2048xf32, #tpu.memory_space<vmem>>, %arg6: memref<2048xf32, #tpu.memory_space<vmem>>, %arg7: memref<2048xf32, #tpu.memory_space<vmem>>, %arg8: memref<2048xf32, #tpu.memory_space<vmem>>, %arg9: memref<2048xf32, #tpu.memory_space<vmem>>, %arg10: memref<2048xf32, #tpu.memory_space<vmem>>, %arg11: memref<2048xf32, #tpu.memory_space<vmem>>, %arg12: memref<2048xf32, #tpu.memory_space<vmem>>, %arg13: memref<!tpu.dma_semaphore, #tpu.memory_space<semaphore_mem>>) attributes {dimension_semantics = [#tpu.dimension_semantics<core_parallel>, #tpu.dimension_semantics<subcore_parallel>], iteration_bounds = array<i64: 2, 16>, scalar_prefetch = 0 : i64, scratch_operands = 10 : i64, tpu.core_type = #tpu.core_type<sc_vector_subcore>, window_params = [{transform_indices = #map}, {transform_indices = #map1}]} {
    %mul3A = arith.constant 2 : i32
    %mul3A_0 = arith.muli %arg1, %mul3A : i32
    %add3A = arith.addi %mul3A_0, %arg0 : i32
    %mul3A_1 = arith.constant 128 : i32
    %mul3A_2 = arith.muli %add3A, %mul3A_1 : i32
    %dma_start3A = arith.constant 0 : i32
    %dma_start3A_3 = tpu.memref_slice %arg2[%dma_start3A, %mul3A_2] : memref<200x4096xi32, #tpu.memory_space<hbm>> -> memref<200x128xi32, #tpu.memory_space<hbm>>
    %dma_start3A_4 = arith.constant 0 : i32
    %dma_start3A_5 = tpu.memref_slice %arg2[%dma_start3A_4, %mul3A_2] : memref<200x4096xi32, #tpu.memory_space<hbm>> -> memref<200x128xi32, #tpu.memory_space<hbm>>
    tpu.enqueue_dma source(%dma_start3A_5 : memref<200x128xi32, #tpu.memory_space<hbm>>) target(%arg4 : memref<200x128xi32, #tpu.memory_space<vmem>>) target_semaphore(%arg13 : memref<!tpu.dma_semaphore, #tpu.memory_space<semaphore_mem>>)
    %iota3A = tpu.iota {dimensions = array<i32: 0>} : vector<16xi32>
    %broadcast_in_dim3A = arith.constant 1.000000e+00 : f32
    %broadcast_in_dim3A_6 = vector.broadcast %broadcast_in_dim3A : f32 to vector<16xf32>
    %broadcast_in_dim3A_7 = arith.constant 0.000000e+00 : f32
    %broadcast_in_dim3A_8 = vector.broadcast %broadcast_in_dim3A_7 : f32 to vector<16xf32>
    %mul3A_9 = arith.constant 128 : i32
    %mul3A_10 = vector.broadcast %mul3A_9 : i32 to vector<16xi32>
    %mul3A_11 = arith.muli %iota3A, %mul3A_10 : vector<16xi32>
    %parallel_loop3A = arith.constant 0 : i32
    %parallel_loop3A_12 = arith.constant 128 : i32
    %parallel_loop3A_13 = arith.constant 1 : i32
    scf.for %parallel_loop3A_52 = %parallel_loop3A to %parallel_loop3A_12 step %parallel_loop3A_13  : i32 {
      %parallel_loop3A_53 = arith.constant 16 : i32
      %parallel_loop3A_54 = arith.muli %parallel_loop3A_52, %parallel_loop3A_53 : i32
      %parallel_loop3A_55 = arith.index_cast %parallel_loop3A_54 : i32 to index
      %parallel_loop3A_56 = tpu.vector_load %arg5[%parallel_loop3A_55] {strides = array<i32>} : memref<2048xf32, #tpu.memory_space<vmem>>, vector<16xf32>,
      tpu.vector_store %arg5[%parallel_loop3A_55], %broadcast_in_dim3A_8 {strides = array<i32>} : memref<2048xf32, #tpu.memory_space<vmem>>, vector<16xf32>,
      %parallel_loop3A_57 = arith.constant 16 : i32
      %parallel_loop3A_58 = arith.muli %parallel_loop3A_52, %parallel_loop3A_57 : i32
      %parallel_loop3A_59 = arith.index_cast %parallel_loop3A_58 : i32 to index
      %parallel_loop3A_60 = tpu.vector_load %arg6[%parallel_loop3A_59] {strides = array<i32>} : memref<2048xf32, #tpu.memory_space<vmem>>, vector<16xf32>,
      tpu.vector_store %arg6[%parallel_loop3A_59], %broadcast_in_dim3A_8 {strides = array<i32>} : memref<2048xf32, #tpu.memory_space<vmem>>, vector<16xf32>,
      %parallel_loop3A_61 = arith.constant 16 : i32
      %parallel_loop3A_62 = arith.muli %parallel_loop3A_52, %parallel_loop3A_61 : i32
      %parallel_loop3A_63 = arith.index_cast %parallel_loop3A_62 : i32 to index
      %parallel_loop3A_64 = tpu.vector_load %arg7[%parallel_loop3A_63] {strides = array<i32>} : memref<2048xf32, #tpu.memory_space<vmem>>, vector<16xf32>,
      tpu.vector_store %arg7[%parallel_loop3A_63], %broadcast_in_dim3A_8 {strides = array<i32>} : memref<2048xf32, #tpu.memory_space<vmem>>, vector<16xf32>,
      %parallel_loop3A_65 = arith.constant 16 : i32
      %parallel_loop3A_66 = arith.muli %parallel_loop3A_52, %parallel_loop3A_65 : i32
      %parallel_loop3A_67 = arith.index_cast %parallel_loop3A_66 : i32 to index
      %parallel_loop3A_68 = tpu.vector_load %arg8[%parallel_loop3A_67] {strides = array<i32>} : memref<2048xf32, #tpu.memory_space<vmem>>, vector<16xf32>,
      tpu.vector_store %arg8[%parallel_loop3A_67], %broadcast_in_dim3A_8 {strides = array<i32>} : memref<2048xf32, #tpu.memory_space<vmem>>, vector<16xf32>,
      %parallel_loop3A_69 = arith.constant 16 : i32
      %parallel_loop3A_70 = arith.muli %parallel_loop3A_52, %parallel_loop3A_69 : i32
      %parallel_loop3A_71 = arith.index_cast %parallel_loop3A_70 : i32 to index
      %parallel_loop3A_72 = tpu.vector_load %arg9[%parallel_loop3A_71] {strides = array<i32>} : memref<2048xf32, #tpu.memory_space<vmem>>, vector<16xf32>,
      tpu.vector_store %arg9[%parallel_loop3A_71], %broadcast_in_dim3A_8 {strides = array<i32>} : memref<2048xf32, #tpu.memory_space<vmem>>, vector<16xf32>,
      %parallel_loop3A_73 = arith.constant 16 : i32
      %parallel_loop3A_74 = arith.muli %parallel_loop3A_52, %parallel_loop3A_73 : i32
      %parallel_loop3A_75 = arith.index_cast %parallel_loop3A_74 : i32 to index
      %parallel_loop3A_76 = tpu.vector_load %arg10[%parallel_loop3A_75] {strides = array<i32>} : memref<2048xf32, #tpu.memory_space<vmem>>, vector<16xf32>,
      tpu.vector_store %arg10[%parallel_loop3A_75], %broadcast_in_dim3A_8 {strides = array<i32>} : memref<2048xf32, #tpu.memory_space<vmem>>, vector<16xf32>,
      %parallel_loop3A_77 = arith.constant 16 : i32
      %parallel_loop3A_78 = arith.muli %parallel_loop3A_52, %parallel_loop3A_77 : i32
      %parallel_loop3A_79 = arith.index_cast %parallel_loop3A_78 : i32 to index
      %parallel_loop3A_80 = tpu.vector_load %arg11[%parallel_loop3A_79] {strides = array<i32>} : memref<2048xf32, #tpu.memory_space<vmem>>, vector<16xf32>,
      tpu.vector_store %arg11[%parallel_loop3A_79], %broadcast_in_dim3A_8 {strides = array<i32>} : memref<2048xf32, #tpu.memory_space<vmem>>, vector<16xf32>,
      %parallel_loop3A_81 = arith.constant 16 : i32
      %parallel_loop3A_82 = arith.muli %parallel_loop3A_52, %parallel_loop3A_81 : i32
      %parallel_loop3A_83 = arith.index_cast %parallel_loop3A_82 : i32 to index
      %parallel_loop3A_84 = tpu.vector_load %arg12[%parallel_loop3A_83] {strides = array<i32>} : memref<2048xf32, #tpu.memory_space<vmem>>, vector<16xf32>,
      tpu.vector_store %arg12[%parallel_loop3A_83], %broadcast_in_dim3A_8 {strides = array<i32>} : memref<2048xf32, #tpu.memory_space<vmem>>, vector<16xf32>,
    } {sc.loop_unroll_factor = 4 : i64, sc.parallel_access}
    %dma_wait3A = arith.constant 0 : i32
    %dma_wait3A_14 = tpu.memref_slice %arg2[%dma_wait3A, %mul3A_2] : memref<200x4096xi32, #tpu.memory_space<hbm>> -> memref<200x128xi32, #tpu.memory_space<hbm>>
    %dma_wait3A_15 = arith.constant 0 : i32
    %dma_wait3A_16 = tpu.memref_slice %arg2[%dma_wait3A_15, %mul3A_2] : memref<200x4096xi32, #tpu.memory_space<hbm>> -> memref<200x128xi32, #tpu.memory_space<hbm>>
    tpu.wait_dma2 semaphore(%arg13 : memref<!tpu.dma_semaphore, #tpu.memory_space<semaphore_mem>>) src(%dma_wait3A_16 : memref<200x128xi32, #tpu.memory_space<hbm>>) dst(%arg4 : memref<200x128xi32, #tpu.memory_space<vmem>>)
    %parallel_loop3A_17 = arith.constant 1 : i32
    %parallel_loop3A_18 = arith.constant 200 : i32
    %parallel_loop3A_19 = arith.constant 1 : i32
    scf.for %parallel_loop3A_52 = %parallel_loop3A_17 to %parallel_loop3A_18 step %parallel_loop3A_19  : i32 {
      %parallel_loop3A_53 = arith.index_cast %parallel_loop3A_52 : i32 to index
      %parallel_loop3A_54 = arith.constant 0 : index
      %parallel_loop3A_55 = tpu.vector_load %arg4[%parallel_loop3A_53, %parallel_loop3A_54] {strides = array<i32>} : memref<200x128xi32, #tpu.memory_space<vmem>>, vector<16xi32>,
      %parallel_loop3A_56 = arith.addi %parallel_loop3A_55, %mul3A_11 : vector<16xi32>
      tpu.vector_store_idx %arg5[%parallel_loop3A_56], %broadcast_in_dim3A_6 {add = true} : memref<2048xf32, #tpu.memory_space<vmem>>[vector<16xi32>], vector<16xf32>,
      %parallel_loop3A_57 = arith.index_cast %parallel_loop3A_52 : i32 to index
      %parallel_loop3A_58 = arith.constant 16 : index
      %parallel_loop3A_59 = tpu.vector_load %arg4[%parallel_loop3A_57, %parallel_loop3A_58] {strides = array<i32>} : memref<200x128xi32, #tpu.memory_space<vmem>>, vector<16xi32>,
      %parallel_loop3A_60 = arith.addi %parallel_loop3A_59, %mul3A_11 : vector<16xi32>
      tpu.vector_store_idx %arg6[%parallel_loop3A_60], %broadcast_in_dim3A_6 {add = true} : memref<2048xf32, #tpu.memory_space<vmem>>[vector<16xi32>], vector<16xf32>,
      %parallel_loop3A_61 = arith.index_cast %parallel_loop3A_52 : i32 to index
      %parallel_loop3A_62 = arith.constant 32 : index
      %parallel_loop3A_63 = tpu.vector_load %arg4[%parallel_loop3A_61, %parallel_loop3A_62] {strides = array<i32>} : memref<200x128xi32, #tpu.memory_space<vmem>>, vector<16xi32>,
      %parallel_loop3A_64 = arith.addi %parallel_loop3A_63, %mul3A_11 : vector<16xi32>
      tpu.vector_store_idx %arg7[%parallel_loop3A_64], %broadcast_in_dim3A_6 {add = true} : memref<2048xf32, #tpu.memory_space<vmem>>[vector<16xi32>], vector<16xf32>,
      %parallel_loop3A_65 = arith.index_cast %parallel_loop3A_52 : i32 to index
      %parallel_loop3A_66 = arith.constant 48 : index
      %parallel_loop3A_67 = tpu.vector_load %arg4[%parallel_loop3A_65, %parallel_loop3A_66] {strides = array<i32>} : memref<200x128xi32, #tpu.memory_space<vmem>>, vector<16xi32>,
      %parallel_loop3A_68 = arith.addi %parallel_loop3A_67, %mul3A_11 : vector<16xi32>
      tpu.vector_store_idx %arg8[%parallel_loop3A_68], %broadcast_in_dim3A_6 {add = true} : memref<2048xf32, #tpu.memory_space<vmem>>[vector<16xi32>], vector<16xf32>,
      %parallel_loop3A_69 = arith.index_cast %parallel_loop3A_52 : i32 to index
      %parallel_loop3A_70 = arith.constant 64 : index
      %parallel_loop3A_71 = tpu.vector_load %arg4[%parallel_loop3A_69, %parallel_loop3A_70] {strides = array<i32>} : memref<200x128xi32, #tpu.memory_space<vmem>>, vector<16xi32>,
      %parallel_loop3A_72 = arith.addi %parallel_loop3A_71, %mul3A_11 : vector<16xi32>
      tpu.vector_store_idx %arg9[%parallel_loop3A_72], %broadcast_in_dim3A_6 {add = true} : memref<2048xf32, #tpu.memory_space<vmem>>[vector<16xi32>], vector<16xf32>,
      %parallel_loop3A_73 = arith.index_cast %parallel_loop3A_52 : i32 to index
      %parallel_loop3A_74 = arith.constant 80 : index
      %parallel_loop3A_75 = tpu.vector_load %arg4[%parallel_loop3A_73, %parallel_loop3A_74] {strides = array<i32>} : memref<200x128xi32, #tpu.memory_space<vmem>>, vector<16xi32>,
      %parallel_loop3A_76 = arith.addi %parallel_loop3A_75, %mul3A_11 : vector<16xi32>
      tpu.vector_store_idx %arg10[%parallel_loop3A_76], %broadcast_in_dim3A_6 {add = true} : memref<2048xf32, #tpu.memory_space<vmem>>[vector<16xi32>], vector<16xf32>,
      %parallel_loop3A_77 = arith.index_cast %parallel_loop3A_52 : i32 to index
      %parallel_loop3A_78 = arith.constant 96 : index
      %parallel_loop3A_79 = tpu.vector_load %arg4[%parallel_loop3A_77, %parallel_loop3A_78] {strides = array<i32>} : memref<200x128xi32, #tpu.memory_space<vmem>>, vector<16xi32>,
      %parallel_loop3A_80 = arith.addi %parallel_loop3A_79, %mul3A_11 : vector<16xi32>
      tpu.vector_store_idx %arg11[%parallel_loop3A_80], %broadcast_in_dim3A_6 {add = true} : memref<2048xf32, #tpu.memory_space<vmem>>[vector<16xi32>], vector<16xf32>,
      %parallel_loop3A_81 = arith.index_cast %parallel_loop3A_52 : i32 to index
      %parallel_loop3A_82 = arith.constant 112 : index
      %parallel_loop3A_83 = tpu.vector_load %arg4[%parallel_loop3A_81, %parallel_loop3A_82] {strides = array<i32>} : memref<200x128xi32, #tpu.memory_space<vmem>>, vector<16xi32>,
      %parallel_loop3A_84 = arith.addi %parallel_loop3A_83, %mul3A_11 : vector<16xi32>
      tpu.vector_store_idx %arg12[%parallel_loop3A_84], %broadcast_in_dim3A_6 {add = true} : memref<2048xf32, #tpu.memory_space<vmem>>[vector<16xi32>], vector<16xf32>,
    } {sc.loop_unroll_factor = 4 : i64, sc.parallel_access}
    %mul3A_20 = arith.constant 128 : i32
    %mul3A_21 = arith.muli %mul3A_2, %mul3A_20 : i32
    %add3A_22 = arith.constant 0 : i32
    %add3A_23 = arith.addi %mul3A_21, %add3A_22 : i32
    "tpu.region"() ({
      %run_scoped3A = tpu.sem_alloc : memref<!tpu.dma_semaphore, #tpu.memory_space<semaphore_mem>>
      %dma_start3A_52 = tpu.memref_slice %arg3[%add3A_23] : memref<524288xf32, #tpu.memory_space<hbm>> -> memref<2048xf32, #tpu.memory_space<hbm>>
      %dma_start3A_53 = tpu.memref_slice %arg3[%add3A_23] : memref<524288xf32, #tpu.memory_space<hbm>> -> memref<2048xf32, #tpu.memory_space<hbm>>
      tpu.enqueue_dma source(%arg5 : memref<2048xf32, #tpu.memory_space<vmem>>) target(%dma_start3A_53 : memref<2048xf32, #tpu.memory_space<hbm>>) target_semaphore(%run_scoped3A : memref<!tpu.dma_semaphore, #tpu.memory_space<semaphore_mem>>)
      %dma_wait3A_54 = tpu.memref_slice %arg3[%add3A_23] : memref<524288xf32, #tpu.memory_space<hbm>> -> memref<2048xf32, #tpu.memory_space<hbm>>
      %dma_wait3A_55 = tpu.memref_slice %arg3[%add3A_23] : memref<524288xf32, #tpu.memory_space<hbm>> -> memref<2048xf32, #tpu.memory_space<hbm>>
      tpu.wait_dma2 semaphore(%run_scoped3A : memref<!tpu.dma_semaphore, #tpu.memory_space<semaphore_mem>>) src(%arg5 : memref<2048xf32, #tpu.memory_space<vmem>>) dst(%dma_wait3A_55 : memref<2048xf32, #tpu.memory_space<hbm>>)
      tpu.yield
    }) : () -> ()
    %mul3A_24 = arith.constant 128 : i32
    %mul3A_25 = arith.muli %mul3A_2, %mul3A_24 : i32
    %add3A_26 = arith.constant 2048 : i32
    %add3A_27 = arith.addi %mul3A_25, %add3A_26 : i32
    "tpu.region"() ({
      %run_scoped3A = tpu.sem_alloc : memref<!tpu.dma_semaphore, #tpu.memory_space<semaphore_mem>>
      %dma_start3A_52 = tpu.memref_slice %arg3[%add3A_27] : memref<524288xf32, #tpu.memory_space<hbm>> -> memref<2048xf32, #tpu.memory_space<hbm>>
      %dma_start3A_53 = tpu.memref_slice %arg3[%add3A_27] : memref<524288xf32, #tpu.memory_space<hbm>> -> memref<2048xf32, #tpu.memory_space<hbm>>
      tpu.enqueue_dma source(%arg6 : memref<2048xf32, #tpu.memory_space<vmem>>) target(%dma_start3A_53 : memref<2048xf32, #tpu.memory_space<hbm>>) target_semaphore(%run_scoped3A : memref<!tpu.dma_semaphore, #tpu.memory_space<semaphore_mem>>)
      %dma_wait3A_54 = tpu.memref_slice %arg3[%add3A_27] : memref<524288xf32, #tpu.memory_space<hbm>> -> memref<2048xf32, #tpu.memory_space<hbm>>
      %dma_wait3A_55 = tpu.memref_slice %arg3[%add3A_27] : memref<524288xf32, #tpu.memory_space<hbm>> -> memref<2048xf32, #tpu.memory_space<hbm>>
      tpu.wait_dma2 semaphore(%run_scoped3A : memref<!tpu.dma_semaphore, #tpu.memory_space<semaphore_mem>>) src(%arg6 : memref<2048xf32, #tpu.memory_space<vmem>>) dst(%dma_wait3A_55 : memref<2048xf32, #tpu.memory_space<hbm>>)
      tpu.yield
    }) : () -> ()
    %mul3A_28 = arith.constant 128 : i32
    %mul3A_29 = arith.muli %mul3A_2, %mul3A_28 : i32
    %add3A_30 = arith.constant 4096 : i32
    %add3A_31 = arith.addi %mul3A_29, %add3A_30 : i32
    "tpu.region"() ({
      %run_scoped3A = tpu.sem_alloc : memref<!tpu.dma_semaphore, #tpu.memory_space<semaphore_mem>>
      %dma_start3A_52 = tpu.memref_slice %arg3[%add3A_31] : memref<524288xf32, #tpu.memory_space<hbm>> -> memref<2048xf32, #tpu.memory_space<hbm>>
      %dma_start3A_53 = tpu.memref_slice %arg3[%add3A_31] : memref<524288xf32, #tpu.memory_space<hbm>> -> memref<2048xf32, #tpu.memory_space<hbm>>
      tpu.enqueue_dma source(%arg7 : memref<2048xf32, #tpu.memory_space<vmem>>) target(%dma_start3A_53 : memref<2048xf32, #tpu.memory_space<hbm>>) target_semaphore(%run_scoped3A : memref<!tpu.dma_semaphore, #tpu.memory_space<semaphore_mem>>)
      %dma_wait3A_54 = tpu.memref_slice %arg3[%add3A_31] : memref<524288xf32, #tpu.memory_space<hbm>> -> memref<2048xf32, #tpu.memory_space<hbm>>
      %dma_wait3A_55 = tpu.memref_slice %arg3[%add3A_31] : memref<524288xf32, #tpu.memory_space<hbm>> -> memref<2048xf32, #tpu.memory_space<hbm>>
      tpu.wait_dma2 semaphore(%run_scoped3A : memref<!tpu.dma_semaphore, #tpu.memory_space<semaphore_mem>>) src(%arg7 : memref<2048xf32, #tpu.memory_space<vmem>>) dst(%dma_wait3A_55 : memref<2048xf32, #tpu.memory_space<hbm>>)
      tpu.yield
    }) : () -> ()
    %mul3A_32 = arith.constant 128 : i32
    %mul3A_33 = arith.muli %mul3A_2, %mul3A_32 : i32
    %add3A_34 = arith.constant 6144 : i32
    %add3A_35 = arith.addi %mul3A_33, %add3A_34 : i32
    "tpu.region"() ({
      %run_scoped3A = tpu.sem_alloc : memref<!tpu.dma_semaphore, #tpu.memory_space<semaphore_mem>>
      %dma_start3A_52 = tpu.memref_slice %arg3[%add3A_35] : memref<524288xf32, #tpu.memory_space<hbm>> -> memref<2048xf32, #tpu.memory_space<hbm>>
      %dma_start3A_53 = tpu.memref_slice %arg3[%add3A_35] : memref<524288xf32, #tpu.memory_space<hbm>> -> memref<2048xf32, #tpu.memory_space<hbm>>
      tpu.enqueue_dma source(%arg8 : memref<2048xf32, #tpu.memory_space<vmem>>) target(%dma_start3A_53 : memref<2048xf32, #tpu.memory_space<hbm>>) target_semaphore(%run_scoped3A : memref<!tpu.dma_semaphore, #tpu.memory_space<semaphore_mem>>)
      %dma_wait3A_54 = tpu.memref_slice %arg3[%add3A_35] : memref<524288xf32, #tpu.memory_space<hbm>> -> memref<2048xf32, #tpu.memory_space<hbm>>
      %dma_wait3A_55 = tpu.memref_slice %arg3[%add3A_35] : memref<524288xf32, #tpu.memory_space<hbm>> -> memref<2048xf32, #tpu.memory_space<hbm>>
      tpu.wait_dma2 semaphore(%run_scoped3A : memref<!tpu.dma_semaphore, #tpu.memory_space<semaphore_mem>>) src(%arg8 : memref<2048xf32, #tpu.memory_space<vmem>>) dst(%dma_wait3A_55 : memref<2048xf32, #tpu.memory_space<hbm>>)
      tpu.yield
    }) : () -> ()
    %mul3A_36 = arith.constant 128 : i32
    %mul3A_37 = arith.muli %mul3A_2, %mul3A_36 : i32
    %add3A_38 = arith.constant 8192 : i32
    %add3A_39 = arith.addi %mul3A_37, %add3A_38 : i32
    "tpu.region"() ({
      %run_scoped3A = tpu.sem_alloc : memref<!tpu.dma_semaphore, #tpu.memory_space<semaphore_mem>>
      %dma_start3A_52 = tpu.memref_slice %arg3[%add3A_39] : memref<524288xf32, #tpu.memory_space<hbm>> -> memref<2048xf32, #tpu.memory_space<hbm>>
      %dma_start3A_53 = tpu.memref_slice %arg3[%add3A_39] : memref<524288xf32, #tpu.memory_space<hbm>> -> memref<2048xf32, #tpu.memory_space<hbm>>
      tpu.enqueue_dma source(%arg9 : memref<2048xf32, #tpu.memory_space<vmem>>) target(%dma_start3A_53 : memref<2048xf32, #tpu.memory_space<hbm>>) target_semaphore(%run_scoped3A : memref<!tpu.dma_semaphore, #tpu.memory_space<semaphore_mem>>)
      %dma_wait3A_54 = tpu.memref_slice %arg3[%add3A_39] : memref<524288xf32, #tpu.memory_space<hbm>> -> memref<2048xf32, #tpu.memory_space<hbm>>
      %dma_wait3A_55 = tpu.memref_slice %arg3[%add3A_39] : memref<524288xf32, #tpu.memory_space<hbm>> -> memref<2048xf32, #tpu.memory_space<hbm>>
      tpu.wait_dma2 semaphore(%run_scoped3A : memref<!tpu.dma_semaphore, #tpu.memory_space<semaphore_mem>>) src(%arg9 : memref<2048xf32, #tpu.memory_space<vmem>>) dst(%dma_wait3A_55 : memref<2048xf32, #tpu.memory_space<hbm>>)
      tpu.yield
    }) : () -> ()
    %mul3A_40 = arith.constant 128 : i32
    %mul3A_41 = arith.muli %mul3A_2, %mul3A_40 : i32
    %add3A_42 = arith.constant 10240 : i32
    %add3A_43 = arith.addi %mul3A_41, %add3A_42 : i32
    "tpu.region"() ({
      %run_scoped3A = tpu.sem_alloc : memref<!tpu.dma_semaphore, #tpu.memory_space<semaphore_mem>>
      %dma_start3A_52 = tpu.memref_slice %arg3[%add3A_43] : memref<524288xf32, #tpu.memory_space<hbm>> -> memref<2048xf32, #tpu.memory_space<hbm>>
      %dma_start3A_53 = tpu.memref_slice %arg3[%add3A_43] : memref<524288xf32, #tpu.memory_space<hbm>> -> memref<2048xf32, #tpu.memory_space<hbm>>
      tpu.enqueue_dma source(%arg10 : memref<2048xf32, #tpu.memory_space<vmem>>) target(%dma_start3A_53 : memref<2048xf32, #tpu.memory_space<hbm>>) target_semaphore(%run_scoped3A : memref<!tpu.dma_semaphore, #tpu.memory_space<semaphore_mem>>)
      %dma_wait3A_54 = tpu.memref_slice %arg3[%add3A_43] : memref<524288xf32, #tpu.memory_space<hbm>> -> memref<2048xf32, #tpu.memory_space<hbm>>
      %dma_wait3A_55 = tpu.memref_slice %arg3[%add3A_43] : memref<524288xf32, #tpu.memory_space<hbm>> -> memref<2048xf32, #tpu.memory_space<hbm>>
      tpu.wait_dma2 semaphore(%run_scoped3A : memref<!tpu.dma_semaphore, #tpu.memory_space<semaphore_mem>>) src(%arg10 : memref<2048xf32, #tpu.memory_space<vmem>>) dst(%dma_wait3A_55 : memref<2048xf32, #tpu.memory_space<hbm>>)
      tpu.yield
    }) : () -> ()
    %mul3A_44 = arith.constant 128 : i32
    %mul3A_45 = arith.muli %mul3A_2, %mul3A_44 : i32
    %add3A_46 = arith.constant 12288 : i32
    %add3A_47 = arith.addi %mul3A_45, %add3A_46 : i32
    "tpu.region"() ({
      %run_scoped3A = tpu.sem_alloc : memref<!tpu.dma_semaphore, #tpu.memory_space<semaphore_mem>>
      %dma_start3A_52 = tpu.memref_slice %arg3[%add3A_47] : memref<524288xf32, #tpu.memory_space<hbm>> -> memref<2048xf32, #tpu.memory_space<hbm>>
      %dma_start3A_53 = tpu.memref_slice %arg3[%add3A_47] : memref<524288xf32, #tpu.memory_space<hbm>> -> memref<2048xf32, #tpu.memory_space<hbm>>
      tpu.enqueue_dma source(%arg11 : memref<2048xf32, #tpu.memory_space<vmem>>) target(%dma_start3A_53 : memref<2048xf32, #tpu.memory_space<hbm>>) target_semaphore(%run_scoped3A : memref<!tpu.dma_semaphore, #tpu.memory_space<semaphore_mem>>)
      %dma_wait3A_54 = tpu.memref_slice %arg3[%add3A_47] : memref<524288xf32, #tpu.memory_space<hbm>> -> memref<2048xf32, #tpu.memory_space<hbm>>
      %dma_wait3A_55 = tpu.memref_slice %arg3[%add3A_47] : memref<524288xf32, #tpu.memory_space<hbm>> -> memref<2048xf32, #tpu.memory_space<hbm>>
      tpu.wait_dma2 semaphore(%run_scoped3A : memref<!tpu.dma_semaphore, #tpu.memory_space<semaphore_mem>>) src(%arg11 : memref<2048xf32, #tpu.memory_space<vmem>>) dst(%dma_wait3A_55 : memref<2048xf32, #tpu.memory_space<hbm>>)
      tpu.yield
    }) : () -> ()
    %mul3A_48 = arith.constant 128 : i32
    %mul3A_49 = arith.muli %mul3A_2, %mul3A_48 : i32
    %add3A_50 = arith.constant 14336 : i32
    %add3A_51 = arith.addi %mul3A_49, %add3A_50 : i32
    "tpu.region"() ({
      %run_scoped3A = tpu.sem_alloc : memref<!tpu.dma_semaphore, #tpu.memory_space<semaphore_mem>>
      %dma_start3A_52 = tpu.memref_slice %arg3[%add3A_51] : memref<524288xf32, #tpu.memory_space<hbm>> -> memref<2048xf32, #tpu.memory_space<hbm>>
      %dma_start3A_53 = tpu.memref_slice %arg3[%add3A_51] : memref<524288xf32, #tpu.memory_space<hbm>> -> memref<2048xf32, #tpu.memory_space<hbm>>
      tpu.enqueue_dma source(%arg12 : memref<2048xf32, #tpu.memory_space<vmem>>) target(%dma_start3A_53 : memref<2048xf32, #tpu.memory_space<hbm>>) target_semaphore(%run_scoped3A : memref<!tpu.dma_semaphore, #tpu.memory_space<semaphore_mem>>)
      %dma_wait3A_54 = tpu.memref_slice %arg3[%add3A_51] : memref<524288xf32, #tpu.memory_space<hbm>> -> memref<2048xf32, #tpu.memory_space<hbm>>
      %dma_wait3A_55 = tpu.memref_slice %arg3[%add3A_51] : memref<524288xf32, #tpu.memory_space<hbm>> -> memref<2048xf32, #tpu.memory_space<hbm>>
      tpu.wait_dma2 semaphore(%run_scoped3A : memref<!tpu.dma_semaphore, #tpu.memory_space<semaphore_mem>>) src(%arg12 : memref<2048xf32, #tpu.memory_space<vmem>>) dst(%dma_wait3A_55 : memref<2048xf32, #tpu.memory_space<hbm>>)
      tpu.yield
    }) : () -> ()
    return
  }
}

</mosaic_0001>

<sc_bundles>
// kernel: _hist_sc.3.cloned.1.call-start
scs
__scs_entry_jumppad:
0x0: {  	(pc) =	sbr.rel $0x88, $3  }
0x1: {  	(tag) =	ssettag $0x0;
	lr =	simm.s32 $0x1  }
0x2: {  	[smem:$0x3FA0] =	sst lr;
	_ =	strace $0xD0000000  }
0x3: {  	_ = 	snop  }
0x4: {  	_ = 	snop  }
0x5: {  	_ = 	snop  }
0x6: {  	_ = 	snop  }
0x7: {  	_ = 	snop  }
__scs_overlays_trampoline_lowered:
0x8: {  	[smem:$0x3FAF] =	sst s0  }
0x9: {  	[smem:$0x3FB0] =	sst s1  }
0xa: {  	[smem:$0x3FB1] =	sst s2  }
0xb: {  	[smem:$0x3FB2] =	sst s3  }
0xc: {  	[smem:$0x3FB3] =	sst s4  }
0xd: {  	[smem:$0x3FB4] =	sst s5  }
0xe: {  	[smem:$0x3FB5] =	sst s6  }
0xf: {  	[smem:$0x3FB6] =	sst s7  }
0x10: {  	[smem:$0x3FB7] =	sst s8  }
0x11: {  	[smem:$0x3FB8] =	sst s9;
	s0 =	simm.s32 @!p0 $0x0  }
0x12: {  	s1 =	sld [smem:$0x3F9E];
	s0 =	simm.s32 @p0 $0x1  }
0x13: {  	[smem:$0x3FB9] =	sst s0;
	s0 =	simm.s32 @!p1 $0x0  }
0x14: {  	s2 =	sld [smem:$0x3F9D];
	s0 =	simm.s32 @p1 $0x1  }
0x15: {  	[smem:$0x3FBA] =	sst s0;
	s0 =	simm.s32 @!p2 $0x0  }
0x16: {  	s3 =	sld [smem:$0x3FDB];
	s0 =	simm.s32 @p2 $0x1  }
0x17: {  	s4 =	simm.s32 $0x1BF5;
	[smem:$0x3FBC] =	sst s0  }
0x18: {  	s0 =	sld [smem:$0x3F9F];
	_ =	swait.ge [sflag:s4], $0x0  }
0x19: {  	s7 =	sld [smem:$0x3FA0]  }
0x1a: {  	s8 =	sadd.s32 $0xFFFFE003, lr  }
0x1b: {  	s9 =	sadd.s32 $0xFFFFFEF7, lr;
	s5 =	simm.s32 $0xFFFFFFFF;
	p2 =	slt.u32 s8, $0xFFFFF086  }
0x1c: {  	p1 =	slt.u32 s9, $0xF7A;
	s5 =	simm.s32 @!p2 $0x0  }
0x1d: {  	s5 =	simm.s32 @p1 $0x1;
	p0 =	seq.s32 s7, s2  }
0x1e: {  	s7 =	smul.u32 @!p0 $0xF7A, s2;
	p2 =	seq.s32 @!p0 s5, $0x0  }
0x1f: {  	s9 =	smul.u32 $0xF7A, s1;
	s8 =	simm.s32 @!p0 $0x1BF5;
	p2 =	por !p2, p0  }
0x20: {  	[sflag:s8] =	ssyncset.s32 @!p0 $0xFFFFF086;
	s6 =	sadd.s32 @!p0 s3, s7;
	s7 =	simm.s32 @!p0 $0x108  }
0x21: {  	s3 =	sadd.s32 s3, s9;
	s6 =	sadd.s32 @!p0 $0x88, s6;
	s7 =	simm.s32 @p2 $0x1082  }
0x22: {  	[simem:s7], [sflag:s8] =	dma.local @!p0 [hbm:s6], $0xF7A  }
0x23: {  	s9 =	sor.u32 $0xD0000000, s2;
	s6 =	simm.s32 $0x108;
	_ =	swait.ge @!p0 [sflag:s8], $0x0  }
0x24: {  	s3 =	sadd.s32 $0x88, s3;
	s6 =	simm.s32 @!p1 $0x1082;
	[sflag:s4] =	ssyncset.s32 $0xFFFFF086  }
0x25: {  	[simem:s6], [sflag:s4] =	dma.local [hbm:s3], $0xF7A  }
0x26: {  	[smem:$0x3FA0] =	sst s1;
	(tag) =	ssettag s2;
	_ =	strace s9  }
0x27: {  	s1 =	sld [smem:$0x3FB0]  }
0x28: {  	s2 =	sld [smem:$0x3FB1]  }
0x29: {  	s4 =	sld [smem:$0x3FB3]  }
0x2a: {  	p0 =	seq.s32 s5, $0x0;
	s5 =	sld [smem:$0x3FB4]  }
0x2b: {  	s6 =	sld [smem:$0x3FB5]  }
0x2c: {  	s7 =	sld [smem:$0x3FB6]  }
0x2d: {  	s3 =	simm.s32 $0x108;
	s8 =	sld [smem:$0x3FB7]  }
0x2e: {  	s3 =	simm.s32 @!p0 $0x1082;
	s9 =	sld [smem:$0x3FB8]  }
0x2f: {  	lr =	sadd.s32 s0, s3;
	s0 =	sld [smem:$0x3FAF]  }
0x30: {  	s3 =	sld [smem:$0x3FB2]  }
0x31: {  	[smem:$0x3FBB] =	sst s10  }
0x32: {  	s10 =	sld [smem:$0x3FB9];
	_ =	sdelay $0x3  }
0x33: {  	p0 =	seq.s32 s10, $0x1;
	s10 =	sld [smem:$0x3FBB];
	_ =	sdelay $0x3  }
0x34: {  	[smem:$0x3FBB] =	sst s10  }
0x35: {  	s10 =	sld [smem:$0x3FBA];
	_ =	sdelay $0x3  }
0x36: {  	p1 =	seq.s32 s10, $0x1;
	s10 =	sld [smem:$0x3FBB];
	_ =	sdelay $0x3  }
0x37: {  	[smem:$0x3FBB] =	sst s10  }
0x38: {  	s10 =	sld [smem:$0x3FBC]  }
0x39: {  	_ = 	snop;
	(pc) =	sbr.ind lr, $3  }
0x3a: {  	_ = 	snop  }
0x3b: {  	_ = 	snop  }
0x3c: {  	p2 =	seq.s32 s10, $0x1;
	s10 =	sld [smem:$0x3FBB]  }
0x3d: {  	_ =	shalt  }
0x3e: {  	_ =	shalt  }
0x3f: {  	_ =	shalt  }
0x40: {  	_ =	shalt  }
0x41: {  	_ =	shalt  }
0x42: {  	_ =	shalt  }
0x43: {  	_ =	shalt  }
0x44: {  	_ =	shalt  }
0x45: {  	_ =	shalt  }
0x46: {  	_ =	shalt  }
0x47: {  	_ =	shalt  }
0x48: {  	_ =	shalt  }
0x49: {  	_ =	shalt  }
0x4a: {  	_ =	shalt  }
0x4b: {  	_ =	shalt  }
0x4c: {  	_ =	shalt  }
0x4d: {  	_ =	shalt  }
0x4e: {  	_ =	shalt  }
0x4f: {  	_ =	shalt  }
0x50: {  	_ =	shalt  }
0x51: {  	_ =	shalt  }
0x52: {  	_ =	shalt  }
0x53: {  	_ =	shalt  }
0x54: {  	_ =	shalt  }
0x55: {  	_ =	shalt  }
0x56: {  	_ =	shalt  }
0x57: {  	_ =	shalt  }
0x58: {  	_ =	shalt  }
0x59: {  	_ =	shalt  }
0x5a: {  	_ =	shalt  }
0x5b: {  	_ =	shalt  }
0x5c: {  	_ =	shalt  }
0x5d: {  	_ =	shalt  }
0x5e: {  	_ =	shalt  }
0x5f: {  	_ =	shalt  }
0x60: {  	_ =	shalt  }
0x61: {  	_ =	shalt  }
0x62: {  	_ =	shalt  }
0x63: {  	_ =	shalt  }
0x64: {  	_ =	shalt  }
0x65: {  	_ =	shalt  }
0x66: {  	_ =	shalt  }
0x67: {  	_ =	shalt  }
0x68: {  	_ =	shalt  }
0x69: {  	_ =	shalt  }
0x6a: {  	_ =	shalt  }
0x6b: {  	_ =	shalt  }
0x6c: {  	_ =	shalt  }
0x6d: {  	_ =	shalt  }
0x6e: {  	_ =	shalt  }
0x6f: {  	_ =	shalt  }
0x70: {  	_ =	shalt  }
0x71: {  	_ =	shalt  }
0x72: {  	_ =	shalt  }
0x73: {  	_ =	shalt  }
0x74: {  	_ =	shalt  }
0x75: {  	_ =	shalt  }
0x76: {  	_ =	shalt  }
0x77: {  	_ =	shalt  }
0x78: {  	_ =	shalt  }
0x79: {  	_ =	shalt  }
0x7a: {  	_ =	shalt  }
0x7b: {  	_ =	shalt  }
0x7c: {  	_ =	shalt  }
0x7d: {  	_ =	shalt  }
0x7e: {  	_ =	shalt  }
0x7f: {  	_ =	shalt  }
0x80: {  	_ =	shalt  }
0x81: {  	_ =	shalt  }
0x82: {  	_ =	shalt  }
0x83: {  	_ =	shalt  }
0x84: {  	_ =	shalt  }
0x85: {  	_ =	shalt  }
0x86: {  	_ =	shalt  }
0x87: {  	_ =	shalt  }
.Lfunc_end0:
.L_simem_size_0:
called_computation_lowered:
.L_overlay_start_0:
0x88: {  	s2 =	sld [smem:$0x3FD9]  }
0x89: {  	s3 =	sld [smem:$0x3FFE];
	_ =	sdelay $0x1  }
0x8a: {  	s1 =	srdreg.scid  }
0x8b: {  	s0 =	sand.u32 $0x1, s1  }
0x8c: {  	s18 =	sshll.u32 s0, $0xA;
	s2 =	sadd.s32 s3, s2  }
0x8d: {  	s2 =	sadd.s32 s2, s18  }
0x8e: {  	[smem:$0x3FC7] =	sst s2  }
0x8f: {  	_ = 	snop  }
0x90: {  	s2 =	sld [smem:$0x3FC9]  }
0x91: {  	s19 =	sld [smem:$0x3FD0];
	(tm) =	ssettm $0x1  }
0x92: {  	s4 =	sld [smem:$0x3FFB];
	_ =	sdelay $0x3  }
0x93: {  	_ =	strace s4  }
0x94: {  	s4 =	sld [smem:$0x3FFC];
	_ =	sdelay $0x3  }
0x95: {  	_ =	strace s4  }
0x96: {  	s4 =	sld [smem:$0x3FFD];
	_ =	sdelay $0x3  }
0x97: {  	_ =	strace s4  }
0x98: {  	_ =	strace $0x8FFFFFFF  }
0x99: {  	s20 =	sld [smem:$0x3FDB];
	_ =	sdelay $0x1  }
0x9a: {  	s5 =	simm.s32 $_scs_section_size  }
0x9b: {  	s6 =	simm.s32 $_size__tile_overlayer_lowered;
	s7 =	simm.s32 $_tile_overlayer_lowered  }
0x9c: {  	s23 =	simm.s32 $0x1BFF;
	s22 =	sshll.u32 s7, $0x1;
	s4 =	sadd.s32 s5, s20  }
0x9d: {  	s8 =	simm.s32 $0x0;
	s21 =	sshll.u32 s6, $0x1;
	s6 =	sadd.s32 s22, s4  }
0x9e: {  	[timem:s8], [sflag:s23] =	dma.local [hbm:s6], s21  }
0x9f: {  	_ =	swait.ge [sflag:s23], s21  }
0xa0: {  	s5 =	ssub.s32 $0x0, s21;
	[sflag:s23] =	ssyncset.done $0x0  }
0xa1: {  	[sflag:s23] =	ssyncadd.s32 s5;
	_ =	sdelay $0x1  }
0xa2: {  	s24 =	simm.s32 $0x1B8B  }
0xa3: {  	_ =	swait.ge [sflag:s24], $0x1  }
0xa4: {  	[sflag:s24] =	ssyncset.done $0x0  }
0xa5: {  	s25 =	simm.s32 $0x1B8E;
	[sflag:s24] =	ssyncadd.s32 $0xFFFFFFFF  }
0xa6: {  	s26 =	simm.s32 $execute0_lowered;
	[smem:$0x3FD2] =	sst s25  }
0xa7: {  	s5 =	sshll.u32 s26, $0x1;
	_ =	strace $0x80000046;
	[dreg:$0x1] =	wrdreg $0xFFFFFFFF  }
0xa8: {  	s28 =	simm.s32 $_size_execute0_lowered;
	s4 =	sadd.s32 s4, s5;
	[dreg:$0x0] =	wrdreg $0x0  }
0xa9: {  	s5 =	sshll.u32 s28, $0x1;
	[dreg:$0x2] =	wrdreg s4  }
0xaa: {  	[dreg:$0x3] =	wrdreg s5  }
0xab: {  	[dreg:$0x4] =	wrdreg $0xC0  }
0xac: {  	_ =	task [dreg:s8], $0x5FFFF  }
0xad: {  	[dreg:$0x1] =	wrdreg $0xFFFFFFFF  }
0xae: {  	[dreg:$0x0] =	wrdreg $0x60  }
0xaf: {  	[dreg:$0x2] =	wrdreg s2  }
0xb0: {  	[dreg:$0x3] =	wrdreg s19  }
0xb1: {  	[dreg:$0x4] =	wrdreg $0x9  }
0xb2: {  	_ =	task.clear_ibuf [dreg:s8], $0x5FFFF;
	_ =	strace $0x90000046  }
0xb3: {  	s29 =	simm.s32 $0x9;
	_ =	strace $0x80000048  }
0xb4: {  	_ =	swait.ge [sflag:s29], $0x1  }
0xb5: {  	[sflag:s29] =	ssyncadd.s32 $0xFFFFFFFF  }
0xb6: {  	_ =	strace $0x90000048  }
0xb7: {  	_ =	sfence  }
0xb8: {  	s30 =	sld [smem:$0x0];
	_ =	sdelay $0x2  }
0xb9: {  	s31 =	sshll.u32 s1, $0xD;
	s1 =	sshrl.u32 s1, $0x2  }
0xba: {  	s3 =	sand.u32 $0x4000, s31;
	s1 =	sadd.s32 s1, s30  }
0xbb: {  	s0 =	sor.u32 s3, s0;
	s1 =	sshll.u32 s1, $0x11  }
0xbc: {  	s0 =	sor.u32 s1, s0  }
0xbd: {  	s0 =	sadd.s32 $0x8F2B, s0  }
0xbe: {  	[sflag:s0] =	ssyncadd.remote.s32 $0x1  }
0xbf: {  	_ =	sfence.sel $0xFFFF  }
0xc0: {  	[dreg:$0x0] =	wrdreg $0xFFFFFFFF;
	(pc) =	sbr.abs _section_cstart, $3  }
0xc1: {  	[dreg:$0x1] =	wrdreg $0xFFFFFFFF  }
0xc2: {  	_ =	task.clear_ibuf [dreg:s8], $0x2FFFF;
	_ =	strace $0x9FFFFFFF  }
0xc3: {  	(tm) =	ssettm $0x7FFFFFFF  }
tec
execute0_lowered:
.L_overlay_start_1:
0x0: {  	(tag) =	ssettag $0x1  }
0x1: {  	s0 =	rddreg [dreg:$0x0]  }
0x2: {  	s1 =	rddreg [dreg:$0x1];
	s2 =	simm.s32 $0x0  }
0x3: {  	s3 =	srdreg.scid;
	s4 =	stileid.u32;
	s15 =	simm.s32 $0x1  }
0x4: {  	s16 =	simm.s32 $0x6400;
	s17 =	simm.s32 $0x6C00;
	s18 =	simm.s32 $0x7400  }
0x5: {  	s19 =	simm.s32 $0x7C00;
	s20 =	simm.s32 $0x8400;
	s21 =	simm.s32 $0x8C00  }
0x6: {  	s22 =	simm.s32 $0x9400;
	s23 =	simm.s32 $0x9C00;
	s24 =	simm.s32 $0x2  }
0x7: {  	s25 =	simm.s32 $0x0;
	s3 =	sand.u32 $0x1, s3;
	s4 =	sshll.u32 s4, $0x1  }
0x8: {  	[smem:$0x7FF] =	sst s2;
	s5 =	ssub.s32 $0x2, s3;
	s3 =	sor.u32 s3, s4  }
0x9: {  	_ =	strace $0x80000047;
	s31 =	sshrl.u32 s5, $0x1;
	s7 =	sshll.u32 s3, $0xB  }
0xa: {  	s6 =	sshll.u32 s3, $0x7;
	s12 =	ssub.s32 s5, s31;
	s4 =	sadd.s32 s1, s7  }
0xb: {  	v1 =	vlaneseq.u32;
	s3 =	sadd.s32 s0, s6;
	s5 =	sadd.s32 $0x100, s4;
	s6 =	sadd.s32 $0x200, s4  }
0xc: {  	v1 =	vmul.u32 $0x80, v1;
	s7 =	sadd.s32 $0x300, s4;
	s8 =	sadd.s32 $0x400, s4;
	s9 =	sadd.s32 $0x500, s4  }
0xd: {  	v0 =	vimm.f32 $0.0e+00;
	v2 =	vimm.f32 $1.000000000e+00;
	s10 =	sadd.s32 $0x600, s4;
	s11 =	sadd.s32 $0x700, s4;
	s12 =	smax.u32 s12, $0x1  }
.LBB2_1:
0xe: {  	s0 =	simm.s32 $0x400;
	s1 =	simm.s32 $0x8000;
	s13 =	simm.s32 $0x6420  }
0xf: {  	[tilespmem:s2], [sflag:$0x1] =	stream.strided.gather [hbm4b:s3+s0], $0x6400, s1, s0, $0x38;
	[tilespmem:$0xA400] =	vst v63  }
0x10: {  	[tilespmem:s13+$0xFFFFFFF0] =	vst v0  }
0x11: {  	[tilespmem:s13+$0x0] =	vst v0  }
0x12: {  	[tilespmem:s13+$0x10] =	vst v0  }
0x13: {  	s26 =	simm.s32 $0x6C20;
	[tilespmem:s13+$0xFFFFFFE0] =	vst v0  }
0x14: {  	[tilespmem:s26+$0xFFFFFFF0] =	vst v0  }
0x15: {  	[tilespmem:s26+$0x0] =	vst v0  }
0x16: {  	[tilespmem:s26+$0x10] =	vst v0  }
0x17: {  	s28 =	simm.s32 $0x7420;
	[tilespmem:s26+$0xFFFFFFE0] =	vst v0  }
0x18: {  	[tilespmem:s28+$0xFFFFFFF0] =	vst v0  }
0x19: {  	[tilespmem:s28+$0x0] =	vst v0  }
0x1a: {  	[tilespmem:s28+$0x10] =	vst v0  }
0x1b: {  	s29 =	simm.s32 $0x7C20;
	[tilespmem:s28+$0xFFFFFFE0] =	vst v0  }
0x1c: {  	[tilespmem:s29+$0xFFFFFFF0] =	vst v0  }
0x1d: {  	[tilespmem:s29+$0x0] =	vst v0  }
0x1e: {  	[tilespmem:s29+$0x10] =	vst v0  }
0x1f: {  	s30 =	simm.s32 $0x8420;
	[tilespmem:s29+$0xFFFFFFE0] =	vst v0  }
0x20: {  	[tilespmem:s30+$0xFFFFFFF0] =	vst v0  }
0x21: {  	[tilespmem:s30+$0x0] =	vst v0  }
0x22: {  	[tilespmem:s30+$0x10] =	vst v0  }
0x23: {  	s31 =	simm.s32 $0x8C20;
	[tilespmem:s30+$0xFFFFFFE0] =	vst v0  }
0x24: {  	[tilespmem:s31+$0xFFFFFFF0] =	vst v0  }
0x25: {  	[tilespmem:s31+$0x0] =	vst v0  }
0x26: {  	[tilespmem:s31+$0x10] =	vst v0  }
0x27: {  	s0 =	simm.s32 $0x9420;
	[tilespmem:s31+$0xFFFFFFE0] =	vst v0  }
0x28: {  	[tilespmem:s0+$0xFFFFFFF0] =	vst v0  }
0x29: {  	[tilespmem:s0+$0x0] =	vst v0  }
0x2a: {  	[tilespmem:s0+$0x10] =	vst v0  }
0x2b: {  	s1 =	simm.s32 $0x9C20;
	[tilespmem:s0+$0xFFFFFFE0] =	vst v0  }
0x2c: {  	[tilespmem:s1+$0xFFFFFFF0] =	vst v0  }
0x2d: {  	[tilespmem:s1+$0x0] =	vst v0  }
0x2e: {  	[tilespmem:s1+$0x10] =	vst v0  }
0x2f: {  	s14 =	simm.s32 $0x6460;
	s13 =	simm.s32 $0x0;
	[tilespmem:s1+$0xFFFFFFE0] =	vst v0  }
.LBB2_2:
0x30: {  	[tilespmem:s14+$0xFFFFFFF0] =	vst v0;
	s26 =	sadd.s32 $0x40, s26  }
0x31: {  	s28 =	sadd.s32 $0x40, s28;
	[tilespmem:s26+$0xFFFFFFF0] =	vst v0  }
0x32: {  	s29 =	sadd.s32 $0x40, s29;
	[tilespmem:s28+$0xFFFFFFF0] =	vst v0  }
0x33: {  	s30 =	sadd.s32 $0x40, s30;
	[tilespmem:s29+$0xFFFFFFF0] =	vst v0  }
0x34: {  	s31 =	sadd.s32 $0x40, s31;
	[tilespmem:s30+$0xFFFFFFF0] =	vst v0  }
0x35: {  	s0 =	sadd.s32 $0x40, s0;
	[tilespmem:s31+$0xFFFFFFF0] =	vst v0  }
0x36: {  	s1 =	sadd.s32 $0x40, s1;
	[tilespmem:s0+$0xFFFFFFF0] =	vst v0  }
0x37: {  	[tilespmem:s1+$0xFFFFFFF0] =	vst v0  }
0x38: {  	[tilespmem:s14+$0x0] =	vst v0  }
0x39: {  	[tilespmem:s26+$0x0] =	vst v0  }
0x3a: {  	[tilespmem:s28+$0x0] =	vst v0  }
0x3b: {  	[tilespmem:s29+$0x0] =	vst v0  }
0x3c: {  	[tilespmem:s30+$0x0] =	vst v0  }
0x3d: {  	[tilespmem:s31+$0x0] =	vst v0  }
0x3e: {  	[tilespmem:s0+$0x0] =	vst v0  }
0x3f: {  	[tilespmem:s1+$0x0] =	vst v0  }
0x40: {  	[tilespmem:s14+$0x10] =	vst v0  }
0x41: {  	[tilespmem:s26+$0x10] =	vst v0  }
0x42: {  	[tilespmem:s28+$0x10] =	vst v0  }
0x43: {  	[tilespmem:s29+$0x10] =	vst v0  }
0x44: {  	[tilespmem:s30+$0x10] =	vst v0  }
0x45: {  	[tilespmem:s31+$0x10] =	vst v0  }
0x46: {  	[tilespmem:s0+$0x10] =	vst v0  }
0x47: {  	[tilespmem:s1+$0x10] =	vst v0  }
0x48: {  	[tilespmem:s14+$0xFFFFFFE0] =	vst v0  }
0x49: {  	s13 =	sadd.s32 $0x4, s13;
	[tilespmem:s26+$0xFFFFFFE0] =	vst v0  }
0x4a: {  	p0 =	slt.u32 s13, $0x7C;
	[tilespmem:s28+$0xFFFFFFE0] =	vst v0  }
.Ltmp0:
0x4b: {  	[tilespmem:s29+$0xFFFFFFE0] =	vst v0;
	(pc) =	sbr.rel @p0 .LBB2_2-.Ltmp0, $4  }
0x4c: {  	[tilespmem:s30+$0xFFFFFFE0] =	vst v0  }
0x4d: {  	[tilespmem:s31+$0xFFFFFFE0] =	vst v0  }
0x4e: {  	[tilespmem:s0+$0xFFFFFFE0] =	vst v0  }
0x4f: {  	s14 =	sadd.s32 $0x40, s14;
	[tilespmem:s1+$0xFFFFFFE0] =	vst v0  }
0x50: {  	_ =	swait.ge [sflag:s15], $0x6400  }
0x51: {  	[sflag:s15] =	ssyncset.done $0x0  }
0x52: {  	s26 =	simm.s32 $0x140;
	[sflag:s15] =	ssyncadd.s32 $0xFFFF9C00  }
0x53: {  	v3 =	vld [tilespmem:s26+$0xC0];
	_ =	sdelay $0x4  }
0x54: {  	v3 =	vadd.s32 v1, v3;
	_ =	sdelay $0x3  }
0x55: {  	v4 =	vld [tilespmem:s26+$0xFFFFFF40]  }
0x56: {  	[tilespmem:v3+s16+$0x0] =	vst.idx.add.f32.msk $0xffff, v2  }
0x57: {  	v3 =	vld [tilespmem:s26+$0xD0];
	_ =	sdelay $0x2  }
0x58: {  	v5 =	vld [tilespmem:s26+$0xFFFFFFC0];
	v4 =	vadd.s32 v1, v4;
	_ =	sdelay $0x1  }
0x59: {  	v6 =	vld [tilespmem:s26+$0x40];
	v3 =	vadd.s32 v1, v3;
	_ =	sdelay $0x2  }
0x5a: {  	v5 =	vadd.s32 v1, v5;
	[tilespmem:v4+s16+$0x0] =	vst.idx.add.f32.msk $0xffff, v2  }
0x5b: {  	v4 =	vld [tilespmem:s26+$0xFFFFFF50]  }
0x5c: {  	[tilespmem:v3+s17+$0x0] =	vst.idx.add.f32.msk $0xffff, v2;
	v3 =	vadd.s32 v1, v6  }
0x5d: {  	v6 =	vld [tilespmem:s26+$0xE0];
	_ =	sdelay $0x1  }
0x5e: {  	[tilespmem:v5+s16+$0x0] =	vst.idx.add.f32.msk $0xffff, v2  }
0x5f: {  	v5 =	vld [tilespmem:s26+$0xFFFFFFD0];
	v4 =	vadd.s32 v1, v4  }
0x60: {  	[tilespmem:v3+s16+$0x0] =	vst.idx.add.f32.msk $0xffff, v2  }
0x61: {  	v3 =	vadd.s32 v1, v6;
	v6 =	vld [tilespmem:s26+$0x50];
	_ =	sdelay $0x2  }
0x62: {  	v5 =	vadd.s32 v1, v5;
	[tilespmem:v4+s17+$0x0] =	vst.idx.add.f32.msk $0xffff, v2  }
0x63: {  	v4 =	vld [tilespmem:s26+$0xFFFFFF60]  }
0x64: {  	[tilespmem:v3+s18+$0x0] =	vst.idx.add.f32.msk $0xffff, v2;
	v3 =	vadd.s32 v1, v6  }
0x65: {  	v6 =	vld [tilespmem:s26+$0xF0];
	_ =	sdelay $0x1  }
0x66: {  	[tilespmem:v5+s17+$0x0] =	vst.idx.add.f32.msk $0xffff, v2  }
0x67: {  	v5 =	vld [tilespmem:s26+$0xFFFFFFE0];
	v4 =	vadd.s32 v1, v4  }
0x68: {  	[tilespmem:v3+s17+$0x0] =	vst.idx.add.f32.msk $0xffff, v2  }
0x69: {  	v3 =	vadd.s32 v1, v6;
	v6 =	vld [tilespmem:s26+$0x60];
	_ =	sdelay $0x2  }
0x6a: {  	v5 =	vadd.s32 v1, v5;
	[tilespmem:v4+s18+$0x0] =	vst.idx.add.f32.msk $0xffff, v2  }
0x6b: {  	v4 =	vld [tilespmem:s26+$0xFFFFFF70]  }
0x6c: {  	[tilespmem:v3+s19+$0x0] =	vst.idx.add.f32.msk $0xffff, v2;
	v3 =	vadd.s32 v1, v6  }
0x6d: {  	v6 =	vld [tilespmem:s26+$0x100];
	_ =	sdelay $0x1  }
0x6e: {  	[tilespmem:v5+s18+$0x0] =	vst.idx.add.f32.msk $0xffff, v2  }
0x6f: {  	v5 =	vld [tilespmem:s26+$0xFFFFFFF0];
	v4 =	vadd.s32 v1, v4  }
0x70: {  	[tilespmem:v3+s18+$0x0] =	vst.idx.add.f32.msk $0xffff, v2  }
0x71: {  	v3 =	vadd.s32 v1, v6;
	v6 =	vld [tilespmem:s26+$0x70];
	_ =	sdelay $0x2  }
0x72: {  	v5 =	vadd.s32 v1, v5;
	[tilespmem:v4+s19+$0x0] =	vst.idx.add.f32.msk $0xffff, v2  }
0x73: {  	v4 =	vld [tilespmem:s26+$0xFFFFFF80]  }
0x74: {  	[tilespmem:v3+s20+$0x0] =	vst.idx.add.f32.msk $0xffff, v2;
	v3 =	vadd.s32 v1, v6;
	_ =	sdelay $0x1  }
0x75: {  	v6 =	vld [tilespmem:s26+$0x110]  }
0x76: {  	[tilespmem:v5+s19+$0x0] =	vst.idx.add.f32.msk $0xffff, v2  }
0x77: {  	v7 =	vld [tilespmem:s26+$0x0]  }
0x78: {  	v4 =	vadd.s32 v1, v4;
	[tilespmem:v3+s19+$0x0] =	vst.idx.add.f32.msk $0xffff, v2  }
0x79: {  	v5 =	vld [tilespmem:s26+$0x80]  }
0x7a: {  	v3 =	vadd.s32 v1, v6;
	_ =	sdelay $0x2  }
0x7b: {  	s28 =	simm.s32 $0x1;
	s29 =	simm.s32 $0x340;
	[tilespmem:v4+s20+$0x0] =	vst.idx.add.f32.msk $0xffff, v2;
	v4 =	vadd.s32 v1, v7  }
.LBB2_4:
0x7c: {  	v6 =	vld [tilespmem:s29+$0xC0];
	s28 =	sadd.s32 $0x4, s28;
	v5 =	vadd.s32 v1, v5  }
0x7d: {  	p0 =	slt.u32 s28, $0xC1;
	[tilespmem:v3+s21+$0x0] =	vst.idx.add.f32.msk $0xffff, v2  }
0x7e: {  	v3 =	vld [tilespmem:s26+$0x120]  }
0x7f: {  	v7 =	vld [tilespmem:s29+$0xFFFFFFC0]  }
0x80: {  	v8 =	vld [tilespmem:s29+$0x40]  }
0x81: {  	v9 =	vld [tilespmem:s29+$0xFFFFFF40];
	v6 =	vadd.s32 v1, v6  }
0x82: {  	[tilespmem:v4+s20+$0x0] =	vst.idx.add.f32.msk $0xffff, v2  }
0x83: {  	[tilespmem:v5+s20+$0x0] =	vst.idx.add.f32.msk $0xffff, v2;
	v3 =	vadd.s32 v1, v3  }
0x84: {  	v4 =	vadd.s32 v1, v7;
	v5 =	vld [tilespmem:s26+$0xFFFFFF90]  }
0x85: {  	v7 =	vadd.s32 v1, v8;
	v8 =	vld [tilespmem:s26+$0x10]  }
0x86: {  	v9 =	vadd.s32 v1, v9;
	[tilespmem:v6+s16+$0x0] =	vst.idx.add.f32.msk $0xffff, v2  }
0x87: {  	v6 =	vld [tilespmem:s29+$0xD0]  }
0x88: {  	[tilespmem:v3+s22+$0x0] =	vst.idx.add.f32.msk $0xffff, v2  }
0x89: {  	v3 =	vadd.s32 v1, v5;
	v5 =	vld [tilespmem:s26+$0x130]  }
0x8a: {  	[tilespmem:v4+s16+$0x0] =	vst.idx.add.f32.msk $0xffff, v2;
	v4 =	vadd.s32 v1, v8  }
0x8b: {  	[tilespmem:v9+s16+$0x0] =	vst.idx.add.f32.msk $0xffff, v2  }
0x8c: {  	[tilespmem:v7+s16+$0x0] =	vst.idx.add.f32.msk $0xffff, v2;
	v6 =	vadd.s32 v1, v6  }
0x8d: {  	v7 =	vld [tilespmem:s29+$0xFFFFFF50]  }
0x8e: {  	v8 =	vld [tilespmem:s29+$0xFFFFFFD0];
	v5 =	vadd.s32 v1, v5  }
0x8f: {  	v9 =	vld [tilespmem:s29+$0x50]  }
0x90: {  	v10 =	vld [tilespmem:s26+$0x90]  }
0x91: {  	[tilespmem:v6+s17+$0x0] =	vst.idx.add.f32.msk $0xffff, v2  }
0x92: {  	v6 =	vadd.s32 v1, v7;
	v7 =	vld [tilespmem:s29+$0xE0]  }
0x93: {  	v8 =	vadd.s32 v1, v8;
	[tilespmem:v5+s23+$0x0] =	vst.idx.add.f32.msk $0xffff, v2  }
0x94: {  	v5 =	vadd.s32 v1, v9;
	[tilespmem:v3+s21+$0x0] =	vst.idx.add.f32.msk $0xffff, v2  }
0x95: {  	[tilespmem:v4+s21+$0x0] =	vst.idx.add.f32.msk $0xffff, v2;
	v3 =	vadd.s32 v1, v10  }
0x96: {  	v4 =	vld [tilespmem:s26+$0xFFFFFFA0]  }
0x97: {  	[tilespmem:v6+s17+$0x0] =	vst.idx.add.f32.msk $0xffff, v2;
	v6 =	vadd.s32 v1, v7  }
0x98: {  	[tilespmem:v8+s17+$0x0] =	vst.idx.add.f32.msk $0xffff, v2  }
0x99: {  	[tilespmem:v5+s17+$0x0] =	vst.idx.add.f32.msk $0xffff, v2  }
0x9a: {  	v5 =	vld [tilespmem:s29+$0xFFFFFF60]  }
0x9b: {  	v7 =	vld [tilespmem:s29+$0xFFFFFFE0];
	v4 =	vadd.s32 v1, v4  }
0x9c: {  	[tilespmem:v6+s18+$0x0] =	vst.idx.add.f32.msk $0xffff, v2  }
0x9d: {  	v6 =	vld [tilespmem:s29+$0xF0]  }
0x9e: {  	v8 =	vld [tilespmem:s29+$0x60]  }
0x9f: {  	v5 =	vadd.s32 v1, v5;
	[tilespmem:v3+s21+$0x0] =	vst.idx.add.f32.msk $0xffff, v2  }
0xa0: {  	v3 =	vadd.s32 v1, v7;
	v7 =	vld [tilespmem:s26+$0x20]  }
0xa1: {  	v9 =	vld [tilespmem:s26+$0xA0]  }
0xa2: {  	v6 =	vadd.s32 v1, v6;
	[tilespmem:v4+s22+$0x0] =	vst.idx.add.f32.msk $0xffff, v2  }
0xa3: {  	v4 =	vadd.s32 v1, v8;
	v8 =	vld [tilespmem:s26+$0xFFFFFFB0]  }
0xa4: {  	[tilespmem:v5+s18+$0x0] =	vst.idx.add.f32.msk $0xffff, v2  }
0xa5: {  	[tilespmem:v3+s18+$0x0] =	vst.idx.add.f32.msk $0xffff, v2;
	v3 =	vadd.s32 v1, v7  }
0xa6: {  	v5 =	vld [tilespmem:s29+$0xFFFFFF70];
	v7 =	vadd.s32 v1, v9  }
0xa7: {  	[tilespmem:v6+s19+$0x0] =	vst.idx.add.f32.msk $0xffff, v2  }
0xa8: {  	v6 =	vld [tilespmem:s29+$0x100];
	v8 =	vadd.s32 v1, v8  }
0xa9: {  	[tilespmem:v4+s18+$0x0] =	vst.idx.add.f32.msk $0xffff, v2  }
0xaa: {  	v4 =	vld [tilespmem:s29+$0xFFFFFFF0]  }
0xab: {  	v5 =	vadd.s32 v1, v5;
	v9 =	vld [tilespmem:s29+$0x70]  }
0xac: {  	[tilespmem:v3+s22+$0x0] =	vst.idx.add.f32.msk $0xffff, v2  }
0xad: {  	v3 =	vadd.s32 v1, v6;
	[tilespmem:v7+s22+$0x0] =	vst.idx.add.f32.msk $0xffff, v2  }
0xae: {  	v6 =	vld [tilespmem:s26+$0x30]  }
0xaf: {  	v4 =	vadd.s32 v1, v4;
	v7 =	vld [tilespmem:s26+$0xB0];
	s26 =	smov.u32 s29  }
0xb0: {  	[tilespmem:v5+s19+$0x0] =	vst.idx.add.f32.msk $0xffff, v2;
	v5 =	vadd.s32 v1, v9  }
0xb1: {  	v9 =	vld [tilespmem:s29+$0xFFFFFF80]  }
0xb2: {  	[tilespmem:v3+s20+$0x0] =	vst.idx.add.f32.msk $0xffff, v2  }
0xb3: {  	v3 =	vld [tilespmem:s29+$0x110];
	v6 =	vadd.s32 v1, v6  }
0xb4: {  	[tilespmem:v4+s19+$0x0] =	vst.idx.add.f32.msk $0xffff, v2;
	v4 =	vadd.s32 v1, v7  }
0xb5: {  	[tilespmem:v5+s19+$0x0] =	vst.idx.add.f32.msk $0xffff, v2  }
0xb6: {  	v7 =	vadd.s32 v1, v9;
	v9 =	vld [tilespmem:s29+$0x0]  }
.Ltmp1:
0xb7: {  	v5 =	vld [tilespmem:s29+$0x80];
	(pc) =	sbr.rel @p0 .LBB2_4-.Ltmp1, $4  }
0xb8: {  	v3 =	vadd.s32 v1, v3;
	[tilespmem:v8+s23+$0x0] =	vst.idx.add.f32.msk $0xffff, v2  }
0xb9: {  	[tilespmem:v6+s23+$0x0] =	vst.idx.add.f32.msk $0xffff, v2  }
0xba: {  	[tilespmem:v4+s23+$0x0] =	vst.idx.add.f32.msk $0xffff, v2  }
0xbb: {  	s29 =	sadd.s32 $0x200, s29;
	[tilespmem:v7+s20+$0x0] =	vst.idx.add.f32.msk $0xffff, v2;
	v4 =	vadd.s32 v1, v9  }
0xbc: {  	_ =	sdelay $0x1  }
0xbd: {  	v5 =	vadd.s32 v1, v5;
	_ =	sdelay $0x1  }
0xbe: {  	[tilespmem:v4+s20+$0x0] =	vst.idx.add.f32.msk $0xffff, v2  }
0xbf: {  	v59 =	vld [tilespmem:s26+$0xFFFFFF90]  }
0xc0: {  	v6 =	vld [tilespmem:s26+$0x10]  }
0xc1: {  	[tilespmem:v5+s20+$0x0] =	vst.idx.add.f32.msk $0xffff, v2  }
0xc2: {  	v5 =	vld [tilespmem:s26+$0x90];
	_ =	sdelay $0x1  }
0xc3: {  	v4 =	vadd.s32 v1, v59  }
0xc4: {  	v6 =	vadd.s32 v1, v6;
	_ =	sdelay $0x1  }
0xc5: {  	[tilespmem:v3+s21+$0x0] =	vst.idx.add.f32.msk $0xffff, v2;
	v3 =	vadd.s32 v1, v5  }
0xc6: {  	v60 =	vld [tilespmem:s26+$0x120]  }
0xc7: {  	[tilespmem:v4+s21+$0x0] =	vst.idx.add.f32.msk $0xffff, v2  }
0xc8: {  	[tilespmem:v6+s21+$0x0] =	vst.idx.add.f32.msk $0xffff, v2  }
0xc9: {  	v4 =	vld [tilespmem:s26+$0xFFFFFFA0]  }
0xca: {  	[tilespmem:v3+s21+$0x0] =	vst.idx.add.f32.msk $0xffff, v2  }
0xcb: {  	v3 =	vld [tilespmem:s26+$0x20]  }
0xcc: {  	v5 =	vadd.s32 v1, v60;
	v61 =	vld [tilespmem:s26+$0xA0];
	_ =	sdelay $0x1  }
0xcd: {  	v4 =	vadd.s32 v1, v4;
	_ =	sdelay $0x1  }
0xce: {  	v3 =	vadd.s32 v1, v3  }
0xcf: {  	[tilespmem:v5+s22+$0x0] =	vst.idx.add.f32.msk $0xffff, v2;
	v62 =	vadd.s32 v1, v61  }
0xd0: {  	v63 =	vld [tilespmem:s26+$0x130]  }
0xd1: {  	[tilespmem:v4+s22+$0x0] =	vst.idx.add.f32.msk $0xffff, v2  }
0xd2: {  	v4 =	vld [tilespmem:s26+$0xFFFFFFB0]  }
0xd3: {  	[tilespmem:v3+s22+$0x0] =	vst.idx.add.f32.msk $0xffff, v2  }
0xd4: {  	[tilespmem:v62+s22+$0x0] =	vst.idx.add.f32.msk $0xffff, v2  }
0xd5: {  	v3 =	vld [tilespmem:s26+$0x30]  }
0xd6: {  	v5 =	vld [tilespmem:s26+$0xB0];
	_ =	sdelay $0x1  }
0xd7: {  	v6 =	vadd.s32 v1, v63  }
0xd8: {  	v4 =	vadd.s32 v1, v4  }
0xd9: {  	v3 =	vadd.s32 v1, v3  }
0xda: {  	v5 =	vadd.s32 v1, v5;
	_ =	sdelay $0x1  }
0xdb: {  	[tilespmem:v6+s23+$0x0] =	vst.idx.add.f32.msk $0xffff, v2  }
0xdc: {  	[tilespmem:v4+s23+$0x0] =	vst.idx.add.f32.msk $0xffff, v2  }
0xdd: {  	[tilespmem:v3+s23+$0x0] =	vst.idx.add.f32.msk $0xffff, v2  }
0xde: {  	s0 =	simm.s32 $0x0;
	[tilespmem:v5+s23+$0x0] =	vst.idx.add.f32.msk $0xffff, v2  }
.LBB2_6:
0xdf: {  	s1 =	sshra.s32 s0, $0x2  }
0xe0: {  	v3 =	vld [tilespmem:s1+$0x6280];
	_ =	sdelay $0x4  }
0xe1: {  	v3 =	vadd.s32 v1, v3;
	_ =	sdelay $0x4  }
0xe2: {  	[tilespmem:v3+s16+$0x0] =	vst.idx.add.f32.msk $0xffff, v2  }
0xe3: {  	v3 =	vld [tilespmem:s1+$0x6290];
	_ =	sdelay $0x4  }
0xe4: {  	v3 =	vadd.s32 v1, v3;
	_ =	sdelay $0x4  }
0xe5: {  	[tilespmem:v3+s17+$0x0] =	vst.idx.add.f32.msk $0xffff, v2  }
0xe6: {  	v3 =	vld [tilespmem:s1+$0x62A0];
	_ =	sdelay $0x4  }
0xe7: {  	v3 =	vadd.s32 v1, v3;
	_ =	sdelay $0x4  }
0xe8: {  	[tilespmem:v3+s18+$0x0] =	vst.idx.add.f32.msk $0xffff, v2  }
0xe9: {  	v3 =	vld [tilespmem:s1+$0x62B0];
	_ =	sdelay $0x4  }
0xea: {  	v3 =	vadd.s32 v1, v3;
	_ =	sdelay $0x4  }
0xeb: {  	[tilespmem:v3+s19+$0x0] =	vst.idx.add.f32.msk $0xffff, v2  }
0xec: {  	v3 =	vld [tilespmem:s1+$0x62C0];
	_ =	sdelay $0x4  }
0xed: {  	v3 =	vadd.s32 v1, v3;
	_ =	sdelay $0x4  }
0xee: {  	[tilespmem:v3+s20+$0x0] =	vst.idx.add.f32.msk $0xffff, v2  }
0xef: {  	v3 =	vld [tilespmem:s1+$0x62D0];
	_ =	sdelay $0x4  }
0xf0: {  	v3 =	vadd.s32 v1, v3;
	_ =	sdelay $0x4  }
0xf1: {  	[tilespmem:v3+s21+$0x0] =	vst.idx.add.f32.msk $0xffff, v2  }
0xf2: {  	v3 =	vld [tilespmem:s1+$0x62E0];
	_ =	sdelay $0x4  }
0xf3: {  	v3 =	vadd.s32 v1, v3;
	_ =	sdelay $0x4  }
0xf4: {  	[tilespmem:v3+s22+$0x0] =	vst.idx.add.f32.msk $0xffff, v2  }
0xf5: {  	v3 =	vld [tilespmem:s1+$0x62F0];
	_ =	sdelay $0x4  }
0xf6: {  	p0 =	sne.s32 s0, $0x400;
	v3 =	vadd.s32 v1, v3  }
.Ltmp2:
0xf7: {  	_ = 	snop;
	(pc) =	sbr.rel @p0 .LBB2_6-.Ltmp2, $2  }
0xf8: {  	_ =	sdelay $0x2  }
0xf9: {  	s0 =	sadd.s32 $0x200, s0;
	[tilespmem:v3+s23+$0x0] =	vst.idx.add.f32.msk $0xffff, v2  }
0xfa: {  	[hbm4b:s4+s2] =	stream.linear.scatter [tilespmem:s16], [sflag:$0x2], $0x800, $0x38;
	[tilespmem:$0xA400] =	vst v63  }
0xfb: {  	_ =	swait.ge [sflag:s24], $0x800  }
0xfc: {  	[sflag:s24] =	ssyncset.done $0x0  }
0xfd: {  	[sflag:s24] =	ssyncadd.s32 $0xFFFFF800  }
0xfe: {  	[hbm4b:s5+s2] =	stream.linear.scatter [tilespmem:s17], [sflag:$0x2], $0x800, $0x38;
	[tilespmem:$0xA400] =	vst v63  }
0xff: {  	_ =	swait.ge [sflag:s24], $0x800  }
0x100: {  	[sflag:s24] =	ssyncset.done $0x0  }
0x101: {  	[sflag:s24] =	ssyncadd.s32 $0xFFFFF800  }
0x102: {  	[hbm4b:s6+s2] =	stream.linear.scatter [tilespmem:s18], [sflag:$0x2], $0x800, $0x38;
	[tilespmem:$0xA400] =	vst v63  }
0x103: {  	_ =	swait.ge [sflag:s24], $0x800  }
0x104: {  	[sflag:s24] =	ssyncset.done $0x0  }
0x105: {  	[sflag:s24] =	ssyncadd.s32 $0xFFFFF800  }
0x106: {  	[hbm4b:s7+s2] =	stream.linear.scatter [tilespmem:s19], [sflag:$0x2], $0x800, $0x38;
	[tilespmem:$0xA400] =	vst v63  }
0x107: {  	_ =	swait.ge [sflag:s24], $0x800  }
0x108: {  	[sflag:s24] =	ssyncset.done $0x0  }
0x109: {  	[sflag:s24] =	ssyncadd.s32 $0xFFFFF800  }
0x10a: {  	[hbm4b:s8+s2] =	stream.linear.scatter [tilespmem:s20], [sflag:$0x2], $0x800, $0x38;
	[tilespmem:$0xA400] =	vst v63  }
0x10b: {  	_ =	swait.ge [sflag:s24], $0x800  }
0x10c: {  	[sflag:s24] =	ssyncset.done $0x0  }
0x10d: {  	[sflag:s24] =	ssyncadd.s32 $0xFFFFF800  }
0x10e: {  	[hbm4b:s9+s2] =	stream.linear.scatter [tilespmem:s21], [sflag:$0x2], $0x800, $0x38;
	[tilespmem:$0xA400] =	vst v63  }
0x10f: {  	_ =	swait.ge [sflag:s24], $0x800  }
0x110: {  	[sflag:s24] =	ssyncset.done $0x0  }
0x111: {  	[sflag:s24] =	ssyncadd.s32 $0xFFFFF800  }
0x112: {  	[hbm4b:s10+s2] =	stream.linear.scatter [tilespmem:s22], [sflag:$0x2], $0x800, $0x38;
	[tilespmem:$0xA400] =	vst v63  }
0x113: {  	s25 =	sadd.s32 $0x1, s25;
	_ =	swait.ge [sflag:s24], $0x800  }
0x114: {  	p0 =	sne.s32 s25, s12;
	[sflag:s24] =	ssyncset.done $0x0  }
.Ltmp3:
0x115: {  	[sflag:s24] =	ssyncadd.s32 $0xFFFFF800;
	(pc) =	sbr.rel @p0 .LBB2_1-.Ltmp3, $4  }
0x116: {  	[hbm4b:s11+s2] =	stream.linear.scatter [tilespmem:s23], [sflag:$0x2], $0x800, $0x38;
	[tilespmem:$0xA400] =	vst v63  }
0x117: {  	_ =	swait.ge [sflag:s24], $0x800  }
0x118: {  	[sflag:s24] =	ssyncset.done $0x0  }
0x119: {  	[sflag:s24] =	ssyncadd.s32 $0xFFFFF800  }
0x11a: {  	_ =	sfence.sel $0x180000  }
0x11b: {  	[bflag:$0x0] =	sbarrier.arrive $0xFFFF  }
0x11c: {  	_ =	strace $0x90000047  }
0x11d: {  	s0 =	stileid.u32;
	[bflag:$0x2] =	sbarrier.arrive $0xFFFF  }
0x11e: {  	p0 =	sne.s32 s0, $0x0;
	s0 =	rddreg [dreg:$0x2]  }
0x11f: {  	s0 =	sadd.s32 @!p0 $0x100000, s0  }
0x120: {  	[sflag:s0] =	ssyncadd.tile.s32 @!p0 $0x1;
	_ =	shalt  }
.Lfunc_end2:
_tile_overlayer_lowered:
.L_overlay_start_2:
0x121: {  	(tag) =	ssettag $0x2  }
0x122: {  	s0 =	rddreg [dreg:$0x0];
	s2 =	stileid.u32  }
0x123: {  	s1 =	rddreg [dreg:$0x1];
	p0 =	sne.s32 s2, $0x0  }
0x124: {  	s3 =	rddreg [dreg:$0x2];
	[bflag:$0x3] =	sbarrier.arrive $0xFFFF;
	s2 =	simm.s32 @!p0 $0x1C02  }
0x125: {  	[timem:s3], [sflag:s2] =	dma.local @!p0 [hbm:s0], s1  }
0x126: {  	s0 =	simm.s32 @!p0 $0x2  }
0x127: {  	_ =	swait.ge @!p0 [sflag:s0], s1  }
0x128: {  	s1 =	ssub.s32 @!p0 $0x0, s1;
	[sflag:s0] =	ssyncset.done @!p0 $0x0  }
0x129: {  	[sflag:s0] =	ssyncadd.s32 @!p0 s1  }
0x12a: {  	[bflag:$0x3] =	sbarrier.arrive $0xFFFF  }
0x12b: {  	_ =	shalt  }

</sc_bundles>
